<compile_context>
chip_gen: v7x
topology: tpu7x:2x2x1
jax: 0.10.2.dev20260603
libtpu: 0.0.44.dev20260713+nightly
codegen_flags: <defaults>
</compile_context>

<pallas_src>
import functools

import jax
import jax.numpy as jnp
from jax import lax
from jax.experimental import pallas as pl
from jax.experimental.pallas import tpu as pltpu
from jax.experimental.pallas import tpu_sc as plsc

_N, _D = 8192, 768
_PATHS = 8
_NC, _NS, _L = 2, 16, 16
_NW = _NC * _NS
_RPW = _N // _NW
_ZR = 32
_NPAD = _RPW // _ZR
_NCH = 8
_CH = _N // _NCH

_mesh = plsc.VectorSubcoreMesh(core_axis_name="c", subcore_axis_name="s")


@functools.partial(
    pl.kernel,
    mesh=_mesh,
    out_type=jax.ShapeDtypeStruct((_N, _D), jnp.float32),
    scratch_types=[
        pltpu.VMEM((_ZR, _D), jnp.float32),
        pltpu.SemaphoreType.DMA,
    ],
)
def _sc_pad(pad_hbm, zbuf, pad_sem):
    wid = lax.axis_index("s") * _NC + lax.axis_index("c")
    base = wid * _RPW

    zvec = jnp.zeros((_L,), jnp.float32)

    def _zrow(i, carry):
        def _zcol(j, c):
            zbuf[i, pl.ds(j * _L, _L)] = zvec
            return c
        return lax.fori_loop(0, _D // _L, _zcol, carry)

    lax.fori_loop(0, _ZR, _zrow, 0)

    pads = [
        pltpu.async_copy(zbuf, pad_hbm.at[pl.ds(base + t * _ZR, _ZR), :],
                         pad_sem)
        for t in range(_NPAD)
    ]
    for p in pads:
        p.wait()


_BLOCK = 1024


def _copy_body(x_ref, hit_ref):
    hit_ref[...] = x_ref[...]


def kernel(inputs):
    n, d = inputs.shape
    hit = pl.pallas_call(
        _copy_body,
        grid=(n // _BLOCK,),
        in_specs=[pl.BlockSpec((_BLOCK, d), lambda i: (i, 0))],
        out_specs=pl.BlockSpec((_BLOCK, d), lambda i: (i, 0)),
        out_shape=jax.ShapeDtypeStruct((n, d), inputs.dtype),
    )(inputs)
    pad = _sc_pad()
    return (hit,) + (pad,) * (_PATHS - 1)

# --- scband reference (transcript-rebuilt; emitter-appended) ---
"""Pipeline reference for scband-miss-hit-scatter-31980326486572 (READ-ONLY COPY).

The authoritative reference and input builder live on the scoring server;
editing this copy changes nothing except your own understanding.
"""

import jax, jax.numpy as jnp
import numpy as np

PATH_NUM = 8
IS_HIT = True


def setup_inputs(seed: int = 0) -> dict:
    key = jax.random.key(seed)
    inputs = jax.random.normal(key, (8192, 768), dtype=jnp.float32)
    return {"inputs": inputs}


def _miss_hit_gate(n, dtype):
    # mask_indice: all-zeros if hit, else filled with path_num-1
    idx_val = 0 if IS_HIT else PATH_NUM - 1
    mask_indice = jnp.full((n, 1), idx_val, dtype=jnp.int64)
    # scatter ones into a zero mask along dim 1 (torch scatter_ equivalent)
    mask = jnp.zeros((n, PATH_NUM), dtype=dtype)
    rows = jnp.arange(n, dtype=jnp.int64)[:, None]
    mask = mask.at[rows, mask_indice].set(1.0)
    return mask


def reference(inputs):
    n = inputs.shape[0]
    score = _miss_hit_gate(n, inputs.dtype)
    # ScatterRouter protocol_type='topk' (k=1): pick the top-1 path per token
    gates, route_idx = jax.lax.top_k(score, 1)  # [n,1], [n,1]
    dst = route_idx[:, 0]
    g = gates[:, 0]
    # fabric_type='dispatch': gather the tokens routed to each path, independently.
    # Static-shape compaction: stable argsort brings selected tokens (order preserved)
    # to the front; non-selected slots are zeroed (padding).
    outs = []
    for p in range(PATH_NUM):
        sel = (dst == p)
        order = jnp.argsort(jnp.logical_not(sel))  # stable: selected tokens first, in order
        valid = sel[order].astype(inputs.dtype)
        gathered = inputs[order] * (g[order] * valid)[:, None]
        outs.append(gathered)
    return tuple(outs)

if __name__ == "__main__":
    import jax
    _d = setup_inputs()
    print(jax.jit(kernel)(*tuple(_d.values())))

</pallas_src>

<mosaic_0001>
#map = affine_map<(d0, d1) -> (0, 0)>
module attributes {stable_mosaic.version = 14 : i64} {
  func.func @_sc_pad(%arg0: i32, %arg1: i32, %arg2: memref<8192x768xf32, #tpu.memory_space<hbm>>, %arg3: memref<32x768xf32, #tpu.memory_space<vmem>>, %arg4: memref<!tpu.dma_semaphore, #tpu.memory_space<semaphore_mem>>) attributes {dimension_semantics = [#tpu.dimension_semantics<core_parallel>, #tpu.dimension_semantics<subcore_parallel>], iteration_bounds = array<i64: 2, 16>, scalar_prefetch = 0 : i64, scratch_operands = 2 : i64, tpu.core_type = #tpu.core_type<sc_vector_subcore>, window_params = [{transform_indices = #map}]} {
    %mul3A = arith.constant 2 : i32
    %mul3A_0 = arith.muli %arg1, %mul3A : i32
    %add3A = arith.addi %mul3A_0, %arg0 : i32
    %mul3A_1 = arith.constant 256 : i32
    %mul3A_2 = arith.muli %add3A, %mul3A_1 : i32
    %broadcast_in_dim3A = arith.constant 0.000000e+00 : f32
    %broadcast_in_dim3A_3 = vector.broadcast %broadcast_in_dim3A : f32 to vector<16xf32>
    %scan3A = arith.constant 0 : i32
    %scan3A_4 = arith.constant 0 : i32
    %scan3A_5 = arith.constant 32 : i32
    %scan3A_6 = arith.addi %scan3A_4, %scan3A_5 : i32
    %scan3A_7 = arith.constant 1 : i32
    scf.for %scan3A_87 = %scan3A_4 to %scan3A_6 step %scan3A_7  : i32 {
      %scan3A_88 = arith.constant 0 : i32
      %scan3A_89 = arith.constant 48 : i32
      %scan3A_90 = arith.addi %scan3A_88, %scan3A_89 : i32
      %scan3A_91 = arith.constant 1 : i32
      scf.for %scan3A_93 = %scan3A_88 to %scan3A_90 step %scan3A_91  : i32 {
        %mul3A_94 = arith.constant 16 : i32
        %mul3A_95 = arith.muli %scan3A_93, %mul3A_94 : i32
        %swap3A = arith.index_cast %scan3A_87 : i32 to index
        %swap3A_96 = arith.index_cast %mul3A_95 : i32 to index
        %swap3A_97 = tpu.vector_load %arg3[%swap3A, %swap3A_96] {strides = array<i32>} : memref<32x768xf32, #tpu.memory_space<vmem>>, vector<1x16xf32>,
        %swap3A_98 = vector.shape_cast %swap3A_97 : vector<1x16xf32> to vector<16xf32>
        %swap3A_99 = vector.shape_cast %broadcast_in_dim3A_3 : vector<16xf32> to vector<1x16xf32>
        tpu.vector_store %arg3[%swap3A, %swap3A_96], %swap3A_99 {strides = array<i32>} : memref<32x768xf32, #tpu.memory_space<vmem>>, vector<1x16xf32>,
      }
      %scan3A_92 = arith.constant 48 : i32
    }
    %scan3A_8 = arith.constant 32 : i32
    %add3A_9 = arith.constant 0 : i32
    %add3A_10 = arith.addi %mul3A_2, %add3A_9 : i32
    %dma_start3A = arith.constant 0 : i32
    %dma_start3A_11 = tpu.memref_slice %arg2[%add3A_10, %dma_start3A] : memref<8192x768xf32, #tpu.memory_space<hbm>> -> memref<32x768xf32, #tpu.memory_space<hbm>>
    %dma_start3A_12 = arith.constant 0 : i32
    %dma_start3A_13 = tpu.memref_slice %arg2[%add3A_10, %dma_start3A_12] : memref<8192x768xf32, #tpu.memory_space<hbm>> -> memref<32x768xf32, #tpu.memory_space<hbm>>
    tpu.enqueue_dma source(%arg3 : memref<32x768xf32, #tpu.memory_space<vmem>>) target(%dma_start3A_13 : memref<32x768xf32, #tpu.memory_space<hbm>>) target_semaphore(%arg4 : memref<!tpu.dma_semaphore, #tpu.memory_space<semaphore_mem>>)
    %add3A_14 = arith.constant 32 : i32
    %add3A_15 = arith.addi %mul3A_2, %add3A_14 : i32
    %dma_start3A_16 = arith.constant 0 : i32
    %dma_start3A_17 = tpu.memref_slice %arg2[%add3A_15, %dma_start3A_16] : memref<8192x768xf32, #tpu.memory_space<hbm>> -> memref<32x768xf32, #tpu.memory_space<hbm>>
    %dma_start3A_18 = arith.constant 0 : i32
    %dma_start3A_19 = tpu.memref_slice %arg2[%add3A_15, %dma_start3A_18] : memref<8192x768xf32, #tpu.memory_space<hbm>> -> memref<32x768xf32, #tpu.memory_space<hbm>>
    tpu.enqueue_dma source(%arg3 : memref<32x768xf32, #tpu.memory_space<vmem>>) target(%dma_start3A_19 : memref<32x768xf32, #tpu.memory_space<hbm>>) target_semaphore(%arg4 : memref<!tpu.dma_semaphore, #tpu.memory_space<semaphore_mem>>)
    %add3A_20 = arith.constant 64 : i32
    %add3A_21 = arith.addi %mul3A_2, %add3A_20 : i32
    %dma_start3A_22 = arith.constant 0 : i32
    %dma_start3A_23 = tpu.memref_slice %arg2[%add3A_21, %dma_start3A_22] : memref<8192x768xf32, #tpu.memory_space<hbm>> -> memref<32x768xf32, #tpu.memory_space<hbm>>
    %dma_start3A_24 = arith.constant 0 : i32
    %dma_start3A_25 = tpu.memref_slice %arg2[%add3A_21, %dma_start3A_24] : memref<8192x768xf32, #tpu.memory_space<hbm>> -> memref<32x768xf32, #tpu.memory_space<hbm>>
    tpu.enqueue_dma source(%arg3 : memref<32x768xf32, #tpu.memory_space<vmem>>) target(%dma_start3A_25 : memref<32x768xf32, #tpu.memory_space<hbm>>) target_semaphore(%arg4 : memref<!tpu.dma_semaphore, #tpu.memory_space<semaphore_mem>>)
    %add3A_26 = arith.constant 96 : i32
    %add3A_27 = arith.addi %mul3A_2, %add3A_26 : i32
    %dma_start3A_28 = arith.constant 0 : i32
    %dma_start3A_29 = tpu.memref_slice %arg2[%add3A_27, %dma_start3A_28] : memref<8192x768xf32, #tpu.memory_space<hbm>> -> memref<32x768xf32, #tpu.memory_space<hbm>>
    %dma_start3A_30 = arith.constant 0 : i32
    %dma_start3A_31 = tpu.memref_slice %arg2[%add3A_27, %dma_start3A_30] : memref<8192x768xf32, #tpu.memory_space<hbm>> -> memref<32x768xf32, #tpu.memory_space<hbm>>
    tpu.enqueue_dma source(%arg3 : memref<32x768xf32, #tpu.memory_space<vmem>>) target(%dma_start3A_31 : memref<32x768xf32, #tpu.memory_space<hbm>>) target_semaphore(%arg4 : memref<!tpu.dma_semaphore, #tpu.memory_space<semaphore_mem>>)
    %add3A_32 = arith.constant 128 : i32
    %add3A_33 = arith.addi %mul3A_2, %add3A_32 : i32
    %dma_start3A_34 = arith.constant 0 : i32
    %dma_start3A_35 = tpu.memref_slice %arg2[%add3A_33, %dma_start3A_34] : memref<8192x768xf32, #tpu.memory_space<hbm>> -> memref<32x768xf32, #tpu.memory_space<hbm>>
    %dma_start3A_36 = arith.constant 0 : i32
    %dma_start3A_37 = tpu.memref_slice %arg2[%add3A_33, %dma_start3A_36] : memref<8192x768xf32, #tpu.memory_space<hbm>> -> memref<32x768xf32, #tpu.memory_space<hbm>>
    tpu.enqueue_dma source(%arg3 : memref<32x768xf32, #tpu.memory_space<vmem>>) target(%dma_start3A_37 : memref<32x768xf32, #tpu.memory_space<hbm>>) target_semaphore(%arg4 : memref<!tpu.dma_semaphore, #tpu.memory_space<semaphore_mem>>)
    %add3A_38 = arith.constant 160 : i32
    %add3A_39 = arith.addi %mul3A_2, %add3A_38 : i32
    %dma_start3A_40 = arith.constant 0 : i32
    %dma_start3A_41 = tpu.memref_slice %arg2[%add3A_39, %dma_start3A_40] : memref<8192x768xf32, #tpu.memory_space<hbm>> -> memref<32x768xf32, #tpu.memory_space<hbm>>
    %dma_start3A_42 = arith.constant 0 : i32
    %dma_start3A_43 = tpu.memref_slice %arg2[%add3A_39, %dma_start3A_42] : memref<8192x768xf32, #tpu.memory_space<hbm>> -> memref<32x768xf32, #tpu.memory_space<hbm>>
    tpu.enqueue_dma source(%arg3 : memref<32x768xf32, #tpu.memory_space<vmem>>) target(%dma_start3A_43 : memref<32x768xf32, #tpu.memory_space<hbm>>) target_semaphore(%arg4 : memref<!tpu.dma_semaphore, #tpu.memory_space<semaphore_mem>>)
    %add3A_44 = arith.constant 192 : i32
    %add3A_45 = arith.addi %mul3A_2, %add3A_44 : i32
    %dma_start3A_46 = arith.constant 0 : i32
    %dma_start3A_47 = tpu.memref_slice %arg2[%add3A_45, %dma_start3A_46] : memref<8192x768xf32, #tpu.memory_space<hbm>> -> memref<32x768xf32, #tpu.memory_space<hbm>>
    %dma_start3A_48 = arith.constant 0 : i32
    %dma_start3A_49 = tpu.memref_slice %arg2[%add3A_45, %dma_start3A_48] : memref<8192x768xf32, #tpu.memory_space<hbm>> -> memref<32x768xf32, #tpu.memory_space<hbm>>
    tpu.enqueue_dma source(%arg3 : memref<32x768xf32, #tpu.memory_space<vmem>>) target(%dma_start3A_49 : memref<32x768xf32, #tpu.memory_space<hbm>>) target_semaphore(%arg4 : memref<!tpu.dma_semaphore, #tpu.memory_space<semaphore_mem>>)
    %add3A_50 = arith.constant 224 : i32
    %add3A_51 = arith.addi %mul3A_2, %add3A_50 : i32
    %dma_start3A_52 = arith.constant 0 : i32
    %dma_start3A_53 = tpu.memref_slice %arg2[%add3A_51, %dma_start3A_52] : memref<8192x768xf32, #tpu.memory_space<hbm>> -> memref<32x768xf32, #tpu.memory_space<hbm>>
    %dma_start3A_54 = arith.constant 0 : i32
    %dma_start3A_55 = tpu.memref_slice %arg2[%add3A_51, %dma_start3A_54] : memref<8192x768xf32, #tpu.memory_space<hbm>> -> memref<32x768xf32, #tpu.memory_space<hbm>>
    tpu.enqueue_dma source(%arg3 : memref<32x768xf32, #tpu.memory_space<vmem>>) target(%dma_start3A_55 : memref<32x768xf32, #tpu.memory_space<hbm>>) target_semaphore(%arg4 : memref<!tpu.dma_semaphore, #tpu.memory_space<semaphore_mem>>)
    %dma_wait3A = arith.constant 0 : i32
    %dma_wait3A_56 = tpu.memref_slice %arg2[%add3A_10, %dma_wait3A] : memref<8192x768xf32, #tpu.memory_space<hbm>> -> memref<32x768xf32, #tpu.memory_space<hbm>>
    %dma_wait3A_57 = arith.constant 0 : i32
    %dma_wait3A_58 = tpu.memref_slice %arg2[%add3A_10, %dma_wait3A_57] : memref<8192x768xf32, #tpu.memory_space<hbm>> -> memref<32x768xf32, #tpu.memory_space<hbm>>
    tpu.wait_dma2 semaphore(%arg4 : memref<!tpu.dma_semaphore, #tpu.memory_space<semaphore_mem>>) src(%arg3 : memref<32x768xf32, #tpu.memory_space<vmem>>) dst(%dma_wait3A_58 : memref<32x768xf32, #tpu.memory_space<hbm>>)
    %dma_wait3A_59 = arith.constant 0 : i32
    %dma_wait3A_60 = tpu.memref_slice %arg2[%add3A_15, %dma_wait3A_59] : memref<8192x768xf32, #tpu.memory_space<hbm>> -> memref<32x768xf32, #tpu.memory_space<hbm>>
    %dma_wait3A_61 = arith.constant 0 : i32
    %dma_wait3A_62 = tpu.memref_slice %arg2[%add3A_15, %dma_wait3A_61] : memref<8192x768xf32, #tpu.memory_space<hbm>> -> memref<32x768xf32, #tpu.memory_space<hbm>>
    tpu.wait_dma2 semaphore(%arg4 : memref<!tpu.dma_semaphore, #tpu.memory_space<semaphore_mem>>) src(%arg3 : memref<32x768xf32, #tpu.memory_space<vmem>>) dst(%dma_wait3A_62 : memref<32x768xf32, #tpu.memory_space<hbm>>)
    %dma_wait3A_63 = arith.constant 0 : i32
    %dma_wait3A_64 = tpu.memref_slice %arg2[%add3A_21, %dma_wait3A_63] : memref<8192x768xf32, #tpu.memory_space<hbm>> -> memref<32x768xf32, #tpu.memory_space<hbm>>
    %dma_wait3A_65 = arith.constant 0 : i32
    %dma_wait3A_66 = tpu.memref_slice %arg2[%add3A_21, %dma_wait3A_65] : memref<8192x768xf32, #tpu.memory_space<hbm>> -> memref<32x768xf32, #tpu.memory_space<hbm>>
    tpu.wait_dma2 semaphore(%arg4 : memref<!tpu.dma_semaphore, #tpu.memory_space<semaphore_mem>>) src(%arg3 : memref<32x768xf32, #tpu.memory_space<vmem>>) dst(%dma_wait3A_66 : memref<32x768xf32, #tpu.memory_space<hbm>>)
    %dma_wait3A_67 = arith.constant 0 : i32
    %dma_wait3A_68 = tpu.memref_slice %arg2[%add3A_27, %dma_wait3A_67] : memref<8192x768xf32, #tpu.memory_space<hbm>> -> memref<32x768xf32, #tpu.memory_space<hbm>>
    %dma_wait3A_69 = arith.constant 0 : i32
    %dma_wait3A_70 = tpu.memref_slice %arg2[%add3A_27, %dma_wait3A_69] : memref<8192x768xf32, #tpu.memory_space<hbm>> -> memref<32x768xf32, #tpu.memory_space<hbm>>
    tpu.wait_dma2 semaphore(%arg4 : memref<!tpu.dma_semaphore, #tpu.memory_space<semaphore_mem>>) src(%arg3 : memref<32x768xf32, #tpu.memory_space<vmem>>) dst(%dma_wait3A_70 : memref<32x768xf32, #tpu.memory_space<hbm>>)
    %dma_wait3A_71 = arith.constant 0 : i32
    %dma_wait3A_72 = tpu.memref_slice %arg2[%add3A_33, %dma_wait3A_71] : memref<8192x768xf32, #tpu.memory_space<hbm>> -> memref<32x768xf32, #tpu.memory_space<hbm>>
    %dma_wait3A_73 = arith.constant 0 : i32
    %dma_wait3A_74 = tpu.memref_slice %arg2[%add3A_33, %dma_wait3A_73] : memref<8192x768xf32, #tpu.memory_space<hbm>> -> memref<32x768xf32, #tpu.memory_space<hbm>>
    tpu.wait_dma2 semaphore(%arg4 : memref<!tpu.dma_semaphore, #tpu.memory_space<semaphore_mem>>) src(%arg3 : memref<32x768xf32, #tpu.memory_space<vmem>>) dst(%dma_wait3A_74 : memref<32x768xf32, #tpu.memory_space<hbm>>)
    %dma_wait3A_75 = arith.constant 0 : i32
    %dma_wait3A_76 = tpu.memref_slice %arg2[%add3A_39, %dma_wait3A_75] : memref<8192x768xf32, #tpu.memory_space<hbm>> -> memref<32x768xf32, #tpu.memory_space<hbm>>
    %dma_wait3A_77 = arith.constant 0 : i32
    %dma_wait3A_78 = tpu.memref_slice %arg2[%add3A_39, %dma_wait3A_77] : memref<8192x768xf32, #tpu.memory_space<hbm>> -> memref<32x768xf32, #tpu.memory_space<hbm>>
    tpu.wait_dma2 semaphore(%arg4 : memref<!tpu.dma_semaphore, #tpu.memory_space<semaphore_mem>>) src(%arg3 : memref<32x768xf32, #tpu.memory_space<vmem>>) dst(%dma_wait3A_78 : memref<32x768xf32, #tpu.memory_space<hbm>>)
    %dma_wait3A_79 = arith.constant 0 : i32
    %dma_wait3A_80 = tpu.memref_slice %arg2[%add3A_45, %dma_wait3A_79] : memref<8192x768xf32, #tpu.memory_space<hbm>> -> memref<32x768xf32, #tpu.memory_space<hbm>>
    %dma_wait3A_81 = arith.constant 0 : i32
    %dma_wait3A_82 = tpu.memref_slice %arg2[%add3A_45, %dma_wait3A_81] : memref<8192x768xf32, #tpu.memory_space<hbm>> -> memref<32x768xf32, #tpu.memory_space<hbm>>
    tpu.wait_dma2 semaphore(%arg4 : memref<!tpu.dma_semaphore, #tpu.memory_space<semaphore_mem>>) src(%arg3 : memref<32x768xf32, #tpu.memory_space<vmem>>) dst(%dma_wait3A_82 : memref<32x768xf32, #tpu.memory_space<hbm>>)
    %dma_wait3A_83 = arith.constant 0 : i32
    %dma_wait3A_84 = tpu.memref_slice %arg2[%add3A_51, %dma_wait3A_83] : memref<8192x768xf32, #tpu.memory_space<hbm>> -> memref<32x768xf32, #tpu.memory_space<hbm>>
    %dma_wait3A_85 = arith.constant 0 : i32
    %dma_wait3A_86 = tpu.memref_slice %arg2[%add3A_51, %dma_wait3A_85] : memref<8192x768xf32, #tpu.memory_space<hbm>> -> memref<32x768xf32, #tpu.memory_space<hbm>>
    tpu.wait_dma2 semaphore(%arg4 : memref<!tpu.dma_semaphore, #tpu.memory_space<semaphore_mem>>) src(%arg3 : memref<32x768xf32, #tpu.memory_space<vmem>>) dst(%dma_wait3A_86 : memref<32x768xf32, #tpu.memory_space<hbm>>)
    return
  }
}

module attributes {stable_mosaic.version = 14 : i64} {
  func.func @_copy_body(%arg0: i32, %arg1: memref<1024x768xf32, #tpu.memory_space<vmem>>, %arg2: memref<1024x768xf32, #tpu.memory_space<vmem>>) attributes {dimension_semantics = [#tpu.dimension_semantics<arbitrary>], iteration_bounds = array<i64: 8>, scalar_prefetch = 0 : i64, scratch_operands = 0 : i64, tpu.core_type = #tpu.core_type<tc>, window_params = [{transform_indices = @transform_0, window_bounds = array<i64: 1024, 768>}, {transform_indices = @transform_1, window_bounds = array<i64: 1024, 768>}]} {
    %get3A = arith.constant 0 : index
    %get3A_0 = arith.constant 0 : index
    %get3A_1 = vector.load %arg1[%get3A, %get3A_0] : memref<1024x768xf32, #tpu.memory_space<vmem>>, vector<1024x768xf32>
    %swap3A = arith.constant 0 : index
    %swap3A_2 = arith.constant 0 : index
    %swap3A_3 = vector.load %arg2[%swap3A, %swap3A_2] : memref<1024x768xf32, #tpu.memory_space<vmem>>, vector<1024x768xf32>
    tpu.vector_store %arg2[%swap3A, %swap3A_2], %get3A_1 {strides = array<i32>} : memref<1024x768xf32, #tpu.memory_space<vmem>>, vector<1024x768xf32>,
    return
  }
  func.func @transform_0(%arg0: i32) -> (i32, i32) {
    %c0_i32 = arith.constant 0 : i32
    %c0_i32_0 = arith.constant 0 : i32
    return %arg0, %c0_i32 : i32, i32
  }
  func.func @transform_1(%arg0: i32) -> (i32, i32) {
    %c0_i32 = arith.constant 0 : i32
    %c0_i32_0 = arith.constant 0 : i32
    return %arg0, %c0_i32 : i32, i32
  }
}

</mosaic_0001>

<sc_bundles>
// kernel: kernel.4.cloned.1.call-start
scs
__scs_entry_jumppad:
0x0: {  	(pc) =	sbr.rel $0x88, $3  }
0x1: {  	(tag) =	ssettag $0x0;
	lr =	simm.s32 $0x1  }
0x2: {  	[smem:$0x3FA0] =	sst lr;
	_ =	strace $0xD0000000  }
0x3: {  	_ = 	snop  }
0x4: {  	_ = 	snop  }
0x5: {  	_ = 	snop  }
0x6: {  	_ = 	snop  }
0x7: {  	_ = 	snop  }
__scs_overlays_trampoline_lowered:
0x8: {  	[smem:$0x3FAF] =	sst s0  }
0x9: {  	[smem:$0x3FB0] =	sst s1  }
0xa: {  	[smem:$0x3FB1] =	sst s2  }
0xb: {  	[smem:$0x3FB2] =	sst s3  }
0xc: {  	[smem:$0x3FB3] =	sst s4  }
0xd: {  	[smem:$0x3FB4] =	sst s5  }
0xe: {  	[smem:$0x3FB5] =	sst s6  }
0xf: {  	[smem:$0x3FB6] =	sst s7  }
0x10: {  	[smem:$0x3FB7] =	sst s8  }
0x11: {  	[smem:$0x3FB8] =	sst s9;
	s0 =	simm.s32 @!p0 $0x0  }
0x12: {  	s1 =	sld [smem:$0x3F9E];
	s0 =	simm.s32 @p0 $0x1  }
0x13: {  	[smem:$0x3FB9] =	sst s0;
	s0 =	simm.s32 @!p1 $0x0  }
0x14: {  	s2 =	sld [smem:$0x3F9D];
	s0 =	simm.s32 @p1 $0x1  }
0x15: {  	[smem:$0x3FBA] =	sst s0;
	s0 =	simm.s32 @!p2 $0x0  }
0x16: {  	s3 =	sld [smem:$0x3FDB];
	s0 =	simm.s32 @p2 $0x1  }
0x17: {  	s4 =	simm.s32 $0x1BF5;
	[smem:$0x3FBC] =	sst s0  }
0x18: {  	s0 =	sld [smem:$0x3F9F];
	_ =	swait.ge [sflag:s4], $0x0  }
0x19: {  	s7 =	sld [smem:$0x3FA0]  }
0x1a: {  	s8 =	sadd.s32 $0xFFFFE003, lr  }
0x1b: {  	s9 =	sadd.s32 $0xFFFFFEF7, lr;
	s5 =	simm.s32 $0xFFFFFFFF;
	p2 =	slt.u32 s8, $0xFFFFF086  }
0x1c: {  	p1 =	slt.u32 s9, $0xF7A;
	s5 =	simm.s32 @!p2 $0x0  }
0x1d: {  	s5 =	simm.s32 @p1 $0x1;
	p0 =	seq.s32 s7, s2  }
0x1e: {  	s7 =	smul.u32 @!p0 $0xF7A, s2;
	p2 =	seq.s32 @!p0 s5, $0x0  }
0x1f: {  	s9 =	smul.u32 $0xF7A, s1;
	s8 =	simm.s32 @!p0 $0x1BF5;
	p2 =	por !p2, p0  }
0x20: {  	[sflag:s8] =	ssyncset.s32 @!p0 $0xFFFFF086;
	s6 =	sadd.s32 @!p0 s3, s7;
	s7 =	simm.s32 @!p0 $0x108  }
0x21: {  	s3 =	sadd.s32 s3, s9;
	s6 =	sadd.s32 @!p0 $0x88, s6;
	s7 =	simm.s32 @p2 $0x1082  }
0x22: {  	[simem:s7], [sflag:s8] =	dma.local @!p0 [hbm:s6], $0xF7A  }
0x23: {  	s9 =	sor.u32 $0xD0000000, s2;
	s6 =	simm.s32 $0x108;
	_ =	swait.ge @!p0 [sflag:s8], $0x0  }
0x24: {  	s3 =	sadd.s32 $0x88, s3;
	s6 =	simm.s32 @!p1 $0x1082;
	[sflag:s4] =	ssyncset.s32 $0xFFFFF086  }
0x25: {  	[simem:s6], [sflag:s4] =	dma.local [hbm:s3], $0xF7A  }
0x26: {  	[smem:$0x3FA0] =	sst s1;
	(tag) =	ssettag s2;
	_ =	strace s9  }
0x27: {  	s1 =	sld [smem:$0x3FB0]  }
0x28: {  	s2 =	sld [smem:$0x3FB1]  }
0x29: {  	s4 =	sld [smem:$0x3FB3]  }
0x2a: {  	p0 =	seq.s32 s5, $0x0;
	s5 =	sld [smem:$0x3FB4]  }
0x2b: {  	s6 =	sld [smem:$0x3FB5]  }
0x2c: {  	s7 =	sld [smem:$0x3FB6]  }
0x2d: {  	s3 =	simm.s32 $0x108;
	s8 =	sld [smem:$0x3FB7]  }
0x2e: {  	s3 =	simm.s32 @!p0 $0x1082;
	s9 =	sld [smem:$0x3FB8]  }
0x2f: {  	lr =	sadd.s32 s0, s3;
	s0 =	sld [smem:$0x3FAF]  }
0x30: {  	s3 =	sld [smem:$0x3FB2]  }
0x31: {  	[smem:$0x3FBB] =	sst s10  }
0x32: {  	s10 =	sld [smem:$0x3FB9];
	_ =	sdelay $0x3  }
0x33: {  	p0 =	seq.s32 s10, $0x1;
	s10 =	sld [smem:$0x3FBB];
	_ =	sdelay $0x3  }
0x34: {  	[smem:$0x3FBB] =	sst s10  }
0x35: {  	s10 =	sld [smem:$0x3FBA];
	_ =	sdelay $0x3  }
0x36: {  	p1 =	seq.s32 s10, $0x1;
	s10 =	sld [smem:$0x3FBB];
	_ =	sdelay $0x3  }
0x37: {  	[smem:$0x3FBB] =	sst s10  }
0x38: {  	s10 =	sld [smem:$0x3FBC]  }
0x39: {  	_ = 	snop;
	(pc) =	sbr.ind lr, $3  }
0x3a: {  	_ = 	snop  }
0x3b: {  	_ = 	snop  }
0x3c: {  	p2 =	seq.s32 s10, $0x1;
	s10 =	sld [smem:$0x3FBB]  }
0x3d: {  	_ =	shalt  }
0x3e: {  	_ =	shalt  }
0x3f: {  	_ =	shalt  }
0x40: {  	_ =	shalt  }
0x41: {  	_ =	shalt  }
0x42: {  	_ =	shalt  }
0x43: {  	_ =	shalt  }
0x44: {  	_ =	shalt  }
0x45: {  	_ =	shalt  }
0x46: {  	_ =	shalt  }
0x47: {  	_ =	shalt  }
0x48: {  	_ =	shalt  }
0x49: {  	_ =	shalt  }
0x4a: {  	_ =	shalt  }
0x4b: {  	_ =	shalt  }
0x4c: {  	_ =	shalt  }
0x4d: {  	_ =	shalt  }
0x4e: {  	_ =	shalt  }
0x4f: {  	_ =	shalt  }
0x50: {  	_ =	shalt  }
0x51: {  	_ =	shalt  }
0x52: {  	_ =	shalt  }
0x53: {  	_ =	shalt  }
0x54: {  	_ =	shalt  }
0x55: {  	_ =	shalt  }
0x56: {  	_ =	shalt  }
0x57: {  	_ =	shalt  }
0x58: {  	_ =	shalt  }
0x59: {  	_ =	shalt  }
0x5a: {  	_ =	shalt  }
0x5b: {  	_ =	shalt  }
0x5c: {  	_ =	shalt  }
0x5d: {  	_ =	shalt  }
0x5e: {  	_ =	shalt  }
0x5f: {  	_ =	shalt  }
0x60: {  	_ =	shalt  }
0x61: {  	_ =	shalt  }
0x62: {  	_ =	shalt  }
0x63: {  	_ =	shalt  }
0x64: {  	_ =	shalt  }
0x65: {  	_ =	shalt  }
0x66: {  	_ =	shalt  }
0x67: {  	_ =	shalt  }
0x68: {  	_ =	shalt  }
0x69: {  	_ =	shalt  }
0x6a: {  	_ =	shalt  }
0x6b: {  	_ =	shalt  }
0x6c: {  	_ =	shalt  }
0x6d: {  	_ =	shalt  }
0x6e: {  	_ =	shalt  }
0x6f: {  	_ =	shalt  }
0x70: {  	_ =	shalt  }
0x71: {  	_ =	shalt  }
0x72: {  	_ =	shalt  }
0x73: {  	_ =	shalt  }
0x74: {  	_ =	shalt  }
0x75: {  	_ =	shalt  }
0x76: {  	_ =	shalt  }
0x77: {  	_ =	shalt  }
0x78: {  	_ =	shalt  }
0x79: {  	_ =	shalt  }
0x7a: {  	_ =	shalt  }
0x7b: {  	_ =	shalt  }
0x7c: {  	_ =	shalt  }
0x7d: {  	_ =	shalt  }
0x7e: {  	_ =	shalt  }
0x7f: {  	_ =	shalt  }
0x80: {  	_ =	shalt  }
0x81: {  	_ =	shalt  }
0x82: {  	_ =	shalt  }
0x83: {  	_ =	shalt  }
0x84: {  	_ =	shalt  }
0x85: {  	_ =	shalt  }
0x86: {  	_ =	shalt  }
0x87: {  	_ =	shalt  }
.Lfunc_end0:
.L_simem_size_0:
called_computation_lowered:
.L_overlay_start_0:
0x88: {  	s2 =	sld [smem:$0x3FD9]  }
0x89: {  	s3 =	sld [smem:$0x3FFE];
	_ =	sdelay $0x1  }
0x8a: {  	s1 =	srdreg.scid  }
0x8b: {  	s0 =	sand.u32 $0x1, s1  }
0x8c: {  	s15 =	sshll.u32 s0, $0xA;
	s2 =	sadd.s32 s3, s2  }
0x8d: {  	s2 =	sadd.s32 s2, s15  }
0x8e: {  	[smem:$0x3FC7] =	sst s2  }
0x8f: {  	_ = 	snop  }
0x90: {  	s2 =	sld [smem:$0x3FD0];
	_ =	sdelay $0x2  }
0x91: {  	s16 =	simm.s32 $0xA;
	s4 =	simm.s32 $0x10  }
0x92: {  	[smem:s4], [sflag:s16] =	dma.local [hbm:s2], $0x1  }
0x93: {  	_ =	swait.eq [sflag:s16], $0x1  }
0x94: {  	[sflag:s16] =	ssyncset.done $0x0  }
0x95: {  	[sflag:s16] =	ssyncadd.s32 $0xFFFFFFFF  }
0x96: {  	s17 =	sld [smem:$0x11];
	(tm) =	ssettm $0x1  }
0x97: {  	s18 =	sld [smem:$0x3FFB];
	_ =	sdelay $0x3  }
0x98: {  	_ =	strace s18  }
0x99: {  	s3 =	sld [smem:$0x3FFC];
	_ =	sdelay $0x3  }
0x9a: {  	_ =	strace s3  }
0x9b: {  	s3 =	sld [smem:$0x3FFD];
	_ =	sdelay $0x3  }
0x9c: {  	_ =	strace s3  }
0x9d: {  	_ =	strace $0x8FFFFFFF  }
0x9e: {  	s19 =	sld [smem:$0x3FDB];
	_ =	sdelay $0x1  }
0x9f: {  	s20 =	simm.s32 $_scs_section_size  }
0xa0: {  	s5 =	simm.s32 $_size__tile_overlayer_lowered;
	s6 =	simm.s32 $_tile_overlayer_lowered  }
0xa1: {  	s23 =	simm.s32 $0x1BFF;
	s22 =	sshll.u32 s6, $0x1;
	s3 =	sadd.s32 s20, s19  }
0xa2: {  	s7 =	simm.s32 $0x0;
	s21 =	sshll.u32 s5, $0x1;
	s5 =	sadd.s32 s22, s3  }
0xa3: {  	[timem:s7], [sflag:s23] =	dma.local [hbm:s5], s21  }
0xa4: {  	_ =	swait.ge [sflag:s23], s21  }
0xa5: {  	s4 =	ssub.s32 $0x0, s21;
	[sflag:s23] =	ssyncset.done $0x0  }
0xa6: {  	[sflag:s23] =	ssyncadd.s32 s4;
	_ =	sdelay $0x1  }
0xa7: {  	s24 =	simm.s32 $0x1B8B  }
0xa8: {  	_ =	swait.ge [sflag:s24], $0x1  }
0xa9: {  	[sflag:s24] =	ssyncset.done $0x0  }
0xaa: {  	s25 =	simm.s32 $0x1B8E;
	[sflag:s24] =	ssyncadd.s32 $0xFFFFFFFF  }
0xab: {  	s26 =	simm.s32 $execute0_lowered;
	[smem:$0x3FD2] =	sst s25  }
0xac: {  	s4 =	sshll.u32 s26, $0x1;
	_ =	strace $0x80000046;
	[dreg:$0x1] =	wrdreg $0xFFFFFFFF  }
0xad: {  	s28 =	simm.s32 $_size_execute0_lowered;
	s3 =	sadd.s32 s3, s4;
	[dreg:$0x0] =	wrdreg $0x0  }
0xae: {  	s4 =	sshll.u32 s28, $0x1;
	[dreg:$0x2] =	wrdreg s3  }
0xaf: {  	[dreg:$0x3] =	wrdreg s4  }
0xb0: {  	[dreg:$0x4] =	wrdreg $0xC0  }
0xb1: {  	_ =	task [dreg:s7], $0x5FFFF  }
0xb2: {  	[dreg:$0x1] =	wrdreg $0xFFFFFFFF  }
0xb3: {  	[dreg:$0x0] =	wrdreg $0x60  }
0xb4: {  	[dreg:$0x2] =	wrdreg s17  }
0xb5: {  	[dreg:$0x3] =	wrdreg $0x9  }
0xb6: {  	_ =	task.clear_ibuf [dreg:s7], $0x4FFFF;
	_ =	strace $0x90000046  }
0xb7: {  	s29 =	simm.s32 $0x9;
	_ =	strace $0x80000048  }
0xb8: {  	_ =	swait.ge [sflag:s29], $0x1  }
0xb9: {  	[sflag:s29] =	ssyncadd.s32 $0xFFFFFFFF  }
0xba: {  	_ =	strace $0x90000048  }
0xbb: {  	_ =	sfence  }
0xbc: {  	s30 =	sld [smem:$0x0];
	_ =	sdelay $0x2  }
0xbd: {  	s31 =	sshll.u32 s1, $0xD;
	s1 =	sshrl.u32 s1, $0x2  }
0xbe: {  	s3 =	sand.u32 $0x4000, s31;
	s1 =	sadd.s32 s1, s30  }
0xbf: {  	s0 =	sor.u32 s3, s0;
	s1 =	sshll.u32 s1, $0x11  }
0xc0: {  	s0 =	sor.u32 s1, s0  }
0xc1: {  	s0 =	sadd.s32 $0x8F2B, s0  }
0xc2: {  	[sflag:s0] =	ssyncadd.remote.s32 $0x1  }
0xc3: {  	_ =	sfence.sel $0xFFFF  }
0xc4: {  	[dreg:$0x0] =	wrdreg $0xFFFFFFFF;
	(pc) =	sbr.abs _section_cstart, $3  }
0xc5: {  	[dreg:$0x1] =	wrdreg $0xFFFFFFFF  }
0xc6: {  	_ =	task.clear_ibuf [dreg:s7], $0x2FFFF;
	_ =	strace $0x9FFFFFFF  }
0xc7: {  	(tm) =	ssettm $0x7FFFFFFF  }
tec
execute0_lowered:
.L_overlay_start_1:
0x0: {  	(tag) =	ssettag $0x1  }
0x1: {  	s1 =	srdreg.scid  }
0x2: {  	s0 =	stileid.u32;
	s3 =	sand.u32 $0x1, s1  }
0x3: {  	s30 =	sshll.u32 s0, $0x6;
	s2 =	sshll.u32 s3, $0x5  }
0x4: {  	s5 =	rddreg [dreg:$0x0];
	s12 =	simm.s32 $0x1;
	s4 =	sor.u32 s2, s30  }
0x5: {  	s1 =	rddreg [dreg:$0x1];
	s7 =	ssub.s32 $0x2, s3;
	s6 =	smul.u32 $0x300, s4  }
0x6: {  	s2 =	simm.s32 $0x0;
	s8 =	sshrl.u32 s7, $0x1;
	s4 =	smul.u32 $0x1800, s4  }
0x7: {  	s13 =	simm.s32 $0x0;
	[smem:$0x7FF] =	sst s2;
	s11 =	ssub.s32 s7, s8  }
0x8: {  	_ =	strace $0x80000047;
	s3 =	sadd.s32 s5, s6;
	s31 =	sshrl.u32 s4, $0x3  }
0x9: {  	s11 =	smax.u32 s11, $0x1;
	s4 =	sadd.s32 $0xC00, s3;
	s10 =	sadd.s32 s5, s31  }
0xa: {  	s5 =	sadd.s32 $0x1800, s3;
	s6 =	sadd.s32 $0x2400, s10;
	s7 =	sadd.s32 $0x3000, s10  }
0xb: {  	v0 =	vimm.f32 $0.0e+00;
	s8 =	sadd.s32 $0x3C00, s10;
	s9 =	sadd.s32 $0x4800, s10;
	s10 =	sadd.s32 $0x5400, s10  }
.LBB2_1:
0xc: {  	s14 =	simm.s32 $0x0  }
.LBB2_2:
0xd: {  	s15 =	sshrl.u32 s14, $0x3  }
0xe: {  	s15 =	smul.u32 $0x6000, s15  }
0xf: {  	s16 =	sshll.u32 s14, $0x7  }
0x10: {  	s16 =	sand.u32 $0x380, s16;
	s17 =	sshra.s32 s15, $0x2;
	s15 =	simm.s32 $0x0  }
0x11: {  	s16 =	sor.u32 s16, s17;
	s31 =	sand.u32 $0x1C00, s15  }
0x12: {  	s18 =	sand.u32 $0x70, s15;
	s19 =	sadd.s32 s31, s16  }
0x13: {  	s17 =	simm.s32 $0x10;
	s18 =	sadd.s32 s18, s19  }
.LBB2_3:
0x14: {  	p0 =	sne.s32 s17, $0x2F0  }
0x15: {  	[tilespmem:s18+$0x0] =	vst v0;
	s15 =	sadd.s32 $0x80, s15;
	s18 =	smov.u32 s17;
	s17 =	sadd.s32 $0x10, s17  }
.Ltmp0:
0x16: {  	(pc) =	sbr.rel @p0 .LBB2_3-.Ltmp0, $4  }
0x17: {  	_ = 	snop  }
0x18: {  	s19 =	sand.u32 $0x1C00, s15  }
0x19: {  	s18 =	sand.u32 $0x70, s18;
	s19 =	sadd.s32 s19, s16  }
0x1a: {  	s18 =	sadd.s32 s18, s19  }
0x1b: {  	s14 =	sadd.s32 $0x1, s14  }
0x1c: {  	p0 =	sne.s32 s14, $0x20  }
.Ltmp1:
0x1d: {  	_ = 	snop;
	(pc) =	sbr.rel @p0 .LBB2_2-.Ltmp1, $2  }
0x1e: {  	_ =	sdelay $0x2  }
0x1f: {  	[tilespmem:s18+$0x0] =	vst v0  }
0x20: {  	[hbm4b:s3+s2] =	stream.linear.scatter [tilespmem:s2], [sflag:$0x1], $0x6000, $0x38;
	[tilespmem:$0x6000] =	vst v63  }
0x21: {  	_ = 	snop  }
0x22: {  	[hbm4b:s4+s2] =	stream.linear.scatter [tilespmem:s2], [sflag:$0x1], $0x6000, $0x38;
	[tilespmem:$0x6000] =	vst v63  }
0x23: {  	_ = 	snop  }
0x24: {  	[hbm4b:s5+s2] =	stream.linear.scatter [tilespmem:s2], [sflag:$0x1], $0x6000, $0x38;
	[tilespmem:$0x6000] =	vst v63  }
0x25: {  	_ = 	snop  }
0x26: {  	[hbm4b:s6+s2] =	stream.linear.scatter [tilespmem:s2], [sflag:$0x1], $0x6000, $0x38;
	[tilespmem:$0x6000] =	vst v63  }
0x27: {  	_ = 	snop  }
0x28: {  	[hbm4b:s7+s2] =	stream.linear.scatter [tilespmem:s2], [sflag:$0x1], $0x6000, $0x38;
	[tilespmem:$0x6000] =	vst v63  }
0x29: {  	_ = 	snop  }
0x2a: {  	[hbm4b:s8+s2] =	stream.linear.scatter [tilespmem:s2], [sflag:$0x1], $0x6000, $0x38;
	[tilespmem:$0x6000] =	vst v63  }
0x2b: {  	_ = 	snop  }
0x2c: {  	[hbm4b:s9+s2] =	stream.linear.scatter [tilespmem:s2], [sflag:$0x1], $0x6000, $0x38;
	[tilespmem:$0x6000] =	vst v63  }
0x2d: {  	_ = 	snop  }
0x2e: {  	[hbm4b:s10+s2] =	stream.linear.scatter [tilespmem:s2], [sflag:$0x1], $0x6000, $0x38;
	[tilespmem:$0x6000] =	vst v63  }
0x2f: {  	_ =	swait.ge [sflag:s12], $0x6000  }
0x30: {  	[sflag:s12] =	ssyncset.done $0x0  }
0x31: {  	[sflag:s12] =	ssyncadd.s32 $0xFFFFA000  }
0x32: {  	_ =	swait.ge [sflag:s12], $0x6000  }
0x33: {  	[sflag:s12] =	ssyncset.done $0x0  }
0x34: {  	[sflag:s12] =	ssyncadd.s32 $0xFFFFA000  }
0x35: {  	_ =	swait.ge [sflag:s12], $0x6000  }
0x36: {  	[sflag:s12] =	ssyncset.done $0x0  }
0x37: {  	[sflag:s12] =	ssyncadd.s32 $0xFFFFA000  }
0x38: {  	_ =	swait.ge [sflag:s12], $0x6000  }
0x39: {  	[sflag:s12] =	ssyncset.done $0x0  }
0x3a: {  	[sflag:s12] =	ssyncadd.s32 $0xFFFFA000  }
0x3b: {  	_ =	swait.ge [sflag:s12], $0x6000  }
0x3c: {  	[sflag:s12] =	ssyncset.done $0x0  }
0x3d: {  	[sflag:s12] =	ssyncadd.s32 $0xFFFFA000  }
0x3e: {  	_ =	swait.ge [sflag:s12], $0x6000  }
0x3f: {  	[sflag:s12] =	ssyncset.done $0x0  }
0x40: {  	s13 =	sadd.s32 $0x1, s13;
	[sflag:s12] =	ssyncadd.s32 $0xFFFFA000  }
0x41: {  	p0 =	sne.s32 s13, s11;
	_ =	swait.ge [sflag:s12], $0x6000  }
.Ltmp2:
0x42: {  	[sflag:s12] =	ssyncset.done $0x0;
	(pc) =	sbr.rel @p0 .LBB2_1-.Ltmp2, $4  }
0x43: {  	[sflag:s12] =	ssyncadd.s32 $0xFFFFA000  }
0x44: {  	_ =	swait.ge [sflag:s12], $0x6000  }
0x45: {  	[sflag:s12] =	ssyncset.done $0x0  }
0x46: {  	[sflag:s12] =	ssyncadd.s32 $0xFFFFA000  }
0x47: {  	_ =	sfence.sel $0x180000  }
0x48: {  	[bflag:$0x0] =	sbarrier.arrive $0xFFFF  }
0x49: {  	p0 =	sne.s32 s0, $0x0;
	_ =	strace $0x90000047  }
0x4a: {  	s0 =	sadd.s32 @!p0 $0x100000, s1;
	[bflag:$0x2] =	sbarrier.arrive $0xFFFF  }
0x4b: {  	[sflag:s0] =	ssyncadd.tile.s32 @!p0 $0x1;
	_ =	shalt  }
.Lfunc_end2:
_tile_overlayer_lowered:
.L_overlay_start_2:
0x4c: {  	(tag) =	ssettag $0x2  }
0x4d: {  	s0 =	rddreg [dreg:$0x0];
	s2 =	stileid.u32  }
0x4e: {  	s1 =	rddreg [dreg:$0x1];
	p0 =	sne.s32 s2, $0x0  }
0x4f: {  	s3 =	rddreg [dreg:$0x2];
	[bflag:$0x3] =	sbarrier.arrive $0xFFFF;
	s2 =	simm.s32 @!p0 $0x1C02  }
0x50: {  	[timem:s3], [sflag:s2] =	dma.local @!p0 [hbm:s0], s1  }
0x51: {  	s0 =	simm.s32 @!p0 $0x2  }
0x52: {  	_ =	swait.ge @!p0 [sflag:s0], s1  }
0x53: {  	s1 =	ssub.s32 @!p0 $0x0, s1;
	[sflag:s0] =	ssyncset.done @!p0 $0x0  }
0x54: {  	[sflag:s0] =	ssyncadd.s32 @!p0 s1  }
0x55: {  	[bflag:$0x3] =	sbarrier.arrive $0xFFFF  }
0x56: {  	_ =	shalt  }

</sc_bundles>
